<compile_context>
chip_gen: v7x
topology: tpu7x:2x2x1
jax: 0.10.2.dev20260603
libtpu: 0.0.44.dev20260713+nightly
codegen_flags: <defaults>
</compile_context>

<pallas_src>
import functools

import jax
import jax.numpy as jnp
from jax import lax
from jax.experimental import pallas as pl
from jax.experimental.pallas import tpu as pltpu
from jax.experimental.pallas import tpu_sc as plsc

_LANES = 16


def _scores_body(w_ref, b_ref, t_ref, o_ref, *, inv_hist):
    t = t_ref[...]
    w = w_ref[...]
    s = lax.dot_general(w, t, (((1,), (0,)), ((), ())),
                        preferred_element_type=jnp.float32)
    o_ref[...] = (s[0] + b_ref[0]) * inv_hist


def _scores(table_t, W, b, hist):
    D, V = table_t.shape
    return pl.pallas_call(
        functools.partial(_scores_body, inv_hist=1.0 / float(hist)),
        in_specs=[
            pl.BlockSpec(memory_space=pltpu.VMEM),
            pl.BlockSpec(memory_space=pltpu.SMEM),
            pl.BlockSpec(memory_space=pltpu.VMEM),
        ],
        out_specs=pl.BlockSpec(memory_space=pltpu.VMEM),
        out_shape=jax.ShapeDtypeStruct((V,), jnp.float32),
    )(W, b, table_t)


def _round4(y):
    t = y * 10000.0
    t = (t + 8388608.0) - 8388608.0
    return t / 10000.0


def _pool(x_T, s_flat, batch, hist):
    info = plsc.get_sparse_core_info()
    nc, ns = info.num_cores, info.num_subcores
    nw = nc * ns
    b_per = batch // nw
    groups = b_per // _LANES
    len_s = s_flat.shape[0]
    slab = (-(len_s // -ns) + 7) & ~7
    tail = len_s - slab * (ns - 1)

    mesh = plsc.VectorSubcoreMesh(core_axis_name="c", subcore_axis_name="s")

    @functools.partial(
        pl.kernel,
        out_type=jax.ShapeDtypeStruct((batch,), jnp.float32),
        mesh=mesh,
        scratch_types=[
            pltpu.VMEM((hist, b_per), jnp.int32),
            pltpu.VMEM((hist * b_per,), jnp.float32),
            pltpu.VMEM((b_per,), jnp.float32),
            pltpu.VMEM_SHARED((len_s,), jnp.float32),
            pltpu.VMEM((slab,), jnp.float32),
            pltpu.SemaphoreType.DMA,
            pltpu.SemaphoreType.DMA,
        ],
    )
    def run(xT_hbm, s_hbm, out_hbm, idx_t, vals_v, y_v, s_sh, s_vm, sem, sem_s):
        sid = lax.axis_index("s")
        wid = sid * nc + lax.axis_index("c")
        base = wid * b_per

        off = sid * slab

        @pl.when(sid < ns - 1)
        def _():
            pltpu.async_copy(s_hbm.at[pl.ds(off, slab)], s_vm, sem_s)

        @pl.when(sid == ns - 1)
        def _():
            pltpu.async_copy(s_hbm.at[pl.ds(off, tail)],
                             s_vm.at[pl.ds(0, tail)], sem_s)

        pltpu.sync_copy(xT_hbm.at[:, pl.ds(base, b_per)], idx_t)

        @pl.when(sid < ns - 1)
        def _():
            pltpu.make_async_copy(
                s_hbm.at[pl.ds(off, slab)], s_vm, sem_s).wait()
            pltpu.sync_copy(s_vm, s_sh.at[pl.ds(off, slab)])

        @pl.when(sid == ns - 1)
        def _():
            pltpu.make_async_copy(
                s_hbm.at[pl.ds(off, tail)],
                s_vm.at[pl.ds(0, tail)], sem_s).wait()
            pltpu.sync_copy(s_vm.at[pl.ds(0, tail)],
                            s_sh.at[pl.ds(off, tail)])

        plsc.subcore_barrier()

        def fire(l, carry):
            pltpu.async_copy(
                s_sh.at[idx_t.at[l]],
                vals_v.at[pl.ds(l * b_per, b_per)],
                sem,
            )
            return carry

        lax.fori_loop(0, hist, fire, 0)
        pltpu.make_async_copy(
            s_hbm.at[pl.ds(0, hist * b_per)], vals_v, sem
        ).wait()

        zero = jnp.zeros((_LANES,), jnp.float32)

        def acc_body(l, accs):
            return tuple(
                accs[j] + vals_v[pl.ds(l * b_per + j * _LANES, _LANES)]
                for j in range(groups)
            )

        accs = lax.fori_loop(0, hist, acc_body, (zero,) * groups)
        for j in range(groups):
            y = 1.0 / (1.0 + jnp.exp(-accs[j]))
            y_v[pl.ds(j * _LANES, _LANES)] = _round4(y)
        pltpu.sync_copy(y_v, out_hbm.at[pl.ds(wid * b_per, b_per)])

    return run(x_T, s_flat)


def kernel(x, emb_table, W, b):
    batch, hist = x.shape
    V, _ = emb_table.shape
    scores = _scores(emb_table.T, W, b, hist)
    x_T = x.T.astype(jnp.int32)
    out = _pool(x_T, scores.reshape(V), batch, hist)
    return out.reshape(batch, 1)

# --- scband reference (transcript-rebuilt; emitter-appended) ---
"""Pipeline reference for scband-solution-12987981103807 (READ-ONLY COPY).

The authoritative reference and input builder live on the scoring server;
editing this copy changes nothing except your own understanding.
"""

import jax, jax.numpy as jnp
import numpy as np

VOCAB = 100000
EMB_DIM = 16
BATCH = 4096
HIST = 50

def setup_inputs(seed: int = 0) -> dict:
    key = jax.random.key(seed)
    k1, k2, k3, k4 = jax.random.split(key, 4)
    x = jax.random.randint(k1, (BATCH, HIST), 0, VOCAB, dtype=jnp.int64 if jax.config.jax_enable_x64 else jnp.int32)
    emb_table = jax.random.normal(k2, (VOCAB, EMB_DIM), dtype=jnp.float32)
    # nn.Linear(16, 1): weight [1, 16], bias [1], uniform(-1/sqrt(16), 1/sqrt(16))
    bound = 1.0 / np.sqrt(EMB_DIM)
    W = jax.random.uniform(k3, (1, EMB_DIM), minval=-bound, maxval=bound, dtype=jnp.float32)
    b = jax.random.uniform(k4, (1,), minval=-bound, maxval=bound, dtype=jnp.float32)
    return {"x": x, "emb_table": emb_table, "W": W, "b": b}

def reference(x, emb_table, W, b):
    # layer1: embedding lookup -> [B, L, 16]
    e = jnp.take(emb_table, x, axis=0)
    # mean over sequence dim -> [B, 16]
    m = jnp.mean(e, axis=1)
    # layer2: linear -> [B, 1]
    y = m @ W.T + b
    # layer3: sigmoid
    y = jax.nn.sigmoid(y)
    # round to 4 decimals
    return jnp.round(y, decimals=4)

if __name__ == "__main__":
    import jax
    _d = setup_inputs()
    print(jax.jit(kernel)(*tuple(_d.values())))

</pallas_src>

<mosaic_0001>
#map = affine_map<(d0, d1) -> (0, 0)>
#map1 = affine_map<(d0, d1) -> (0)>
module attributes {stable_mosaic.version = 14 : i64} {
  func.func @run(%arg0: i32, %arg1: i32, %arg2: memref<50x4096xi32, #tpu.memory_space<hbm>>, %arg3: memref<100000xf32, #tpu.memory_space<hbm>>, %arg4: memref<4096xf32, #tpu.memory_space<hbm>>, %arg5: memref<50x128xi32, #tpu.memory_space<vmem>>, %arg6: memref<6400xf32, #tpu.memory_space<vmem>>, %arg7: memref<128xf32, #tpu.memory_space<vmem>>, %arg8: memref<100000xf32, #tpu.memory_space<vmem_shared>>, %arg9: memref<6256xf32, #tpu.memory_space<vmem>>, %arg10: memref<!tpu.dma_semaphore, #tpu.memory_space<semaphore_mem>>, %arg11: memref<!tpu.dma_semaphore, #tpu.memory_space<semaphore_mem>>) attributes {dimension_semantics = [#tpu.dimension_semantics<core_parallel>, #tpu.dimension_semantics<subcore_parallel>], iteration_bounds = array<i64: 2, 16>, scalar_prefetch = 0 : i64, scratch_operands = 7 : i64, tpu.core_type = #tpu.core_type<sc_vector_subcore>, window_params = [{transform_indices = #map}, {transform_indices = #map1}, {transform_indices = #map1}]} {
    %mul3A = arith.constant 2 : i32
    %mul3A_0 = arith.muli %arg1, %mul3A : i32
    %add3A = arith.addi %mul3A_0, %arg0 : i32
    %mul3A_1 = arith.constant 128 : i32
    %mul3A_2 = arith.muli %add3A, %mul3A_1 : i32
    %mul3A_3 = arith.constant 6256 : i32
    %mul3A_4 = arith.muli %arg1, %mul3A_3 : i32
    %lt3A = arith.constant 15 : i32
    %lt3A_5 = arith.cmpi slt, %arg1, %lt3A : i32
    %convert_element_type3A = arith.extui %lt3A_5 : i1 to i32
    %cond3A = arith.constant 0 : i32
    %cond3A_6 = arith.cmpi ne, %convert_element_type3A, %cond3A : i32
    scf.if %cond3A_6 {
      %dma_start3A = tpu.memref_slice %arg3[%mul3A_4] : memref<100000xf32, #tpu.memory_space<hbm>> -> memref<6256xf32, #tpu.memory_space<hbm>>
      %dma_start3A_241 = tpu.memref_slice %arg3[%mul3A_4] : memref<100000xf32, #tpu.memory_space<hbm>> -> memref<6256xf32, #tpu.memory_space<hbm>>
      tpu.enqueue_dma source(%dma_start3A_241 : memref<6256xf32, #tpu.memory_space<hbm>>) target(%arg9 : memref<6256xf32, #tpu.memory_space<vmem>>) target_semaphore(%arg11 : memref<!tpu.dma_semaphore, #tpu.memory_space<semaphore_mem>>)
    } else {
    }
    %eq3A = arith.constant 15 : i32
    %eq3A_7 = arith.cmpi eq, %arg1, %eq3A : i32
    %convert_element_type3A_8 = arith.extui %eq3A_7 : i1 to i32
    %cond3A_9 = arith.constant 0 : i32
    %cond3A_10 = arith.cmpi ne, %convert_element_type3A_8, %cond3A_9 : i32
    scf.if %cond3A_10 {
      %dma_start3A = arith.constant 0 : i32
      %dma_start3A_241 = tpu.memref_slice %arg9[%dma_start3A] : memref<6256xf32, #tpu.memory_space<vmem>> -> memref<6160xf32, #tpu.memory_space<vmem>>
      %dma_start3A_242 = tpu.memref_slice %arg3[%mul3A_4] : memref<100000xf32, #tpu.memory_space<hbm>> -> memref<6160xf32, #tpu.memory_space<hbm>>
      %dma_start3A_243 = arith.constant 0 : i32
      %dma_start3A_244 = tpu.memref_slice %arg9[%dma_start3A_243] : memref<6256xf32, #tpu.memory_space<vmem>> -> memref<6160xf32, #tpu.memory_space<vmem>>
      %dma_start3A_245 = tpu.memref_slice %arg3[%mul3A_4] : memref<100000xf32, #tpu.memory_space<hbm>> -> memref<6160xf32, #tpu.memory_space<hbm>>
      tpu.enqueue_dma source(%dma_start3A_245 : memref<6160xf32, #tpu.memory_space<hbm>>) target(%dma_start3A_244 : memref<6160xf32, #tpu.memory_space<vmem>>) target_semaphore(%arg11 : memref<!tpu.dma_semaphore, #tpu.memory_space<semaphore_mem>>)
    } else {
    }
    "tpu.region"() ({
      %run_scoped3A = tpu.sem_alloc : memref<!tpu.dma_semaphore, #tpu.memory_space<semaphore_mem>>
      %dma_start3A = arith.constant 0 : i32
      %dma_start3A_241 = tpu.memref_slice %arg2[%dma_start3A, %mul3A_2] : memref<50x4096xi32, #tpu.memory_space<hbm>> -> memref<50x128xi32, #tpu.memory_space<hbm>>
      %dma_start3A_242 = arith.constant 0 : i32
      %dma_start3A_243 = tpu.memref_slice %arg2[%dma_start3A_242, %mul3A_2] : memref<50x4096xi32, #tpu.memory_space<hbm>> -> memref<50x128xi32, #tpu.memory_space<hbm>>
      tpu.enqueue_dma source(%dma_start3A_243 : memref<50x128xi32, #tpu.memory_space<hbm>>) target(%arg5 : memref<50x128xi32, #tpu.memory_space<vmem>>) target_semaphore(%run_scoped3A : memref<!tpu.dma_semaphore, #tpu.memory_space<semaphore_mem>>)
      %dma_wait3A_244 = arith.constant 0 : i32
      %dma_wait3A_245 = tpu.memref_slice %arg2[%dma_wait3A_244, %mul3A_2] : memref<50x4096xi32, #tpu.memory_space<hbm>> -> memref<50x128xi32, #tpu.memory_space<hbm>>
      %dma_wait3A_246 = arith.constant 0 : i32
      %dma_wait3A_247 = tpu.memref_slice %arg2[%dma_wait3A_246, %mul3A_2] : memref<50x4096xi32, #tpu.memory_space<hbm>> -> memref<50x128xi32, #tpu.memory_space<hbm>>
      tpu.wait_dma2 semaphore(%run_scoped3A : memref<!tpu.dma_semaphore, #tpu.memory_space<semaphore_mem>>) src(%dma_wait3A_247 : memref<50x128xi32, #tpu.memory_space<hbm>>) dst(%arg5 : memref<50x128xi32, #tpu.memory_space<vmem>>)
      tpu.yield
    }) : () -> ()
    %lt3A_11 = arith.constant 15 : i32
    %lt3A_12 = arith.cmpi slt, %arg1, %lt3A_11 : i32
    %convert_element_type3A_13 = arith.extui %lt3A_12 : i1 to i32
    %cond3A_14 = arith.constant 0 : i32
    %cond3A_15 = arith.cmpi ne, %convert_element_type3A_13, %cond3A_14 : i32
    scf.if %cond3A_15 {
      %dma_wait3A_241 = tpu.memref_slice %arg3[%mul3A_4] : memref<100000xf32, #tpu.memory_space<hbm>> -> memref<6256xf32, #tpu.memory_space<hbm>>
      %dma_wait3A_242 = tpu.memref_slice %arg3[%mul3A_4] : memref<100000xf32, #tpu.memory_space<hbm>> -> memref<6256xf32, #tpu.memory_space<hbm>>
      tpu.wait_dma2 semaphore(%arg11 : memref<!tpu.dma_semaphore, #tpu.memory_space<semaphore_mem>>) src(%dma_wait3A_242 : memref<6256xf32, #tpu.memory_space<hbm>>) dst(%arg9 : memref<6256xf32, #tpu.memory_space<vmem>>)
      "tpu.region"() ({
        %run_scoped3A = tpu.sem_alloc : memref<!tpu.dma_semaphore, #tpu.memory_space<semaphore_mem>>
        %dma_start3A = tpu.memref_slice %arg8[%mul3A_4] : memref<100000xf32, #tpu.memory_space<vmem_shared>> -> memref<6256xf32, #tpu.memory_space<vmem_shared>>
        %dma_start3A_243 = tpu.memref_slice %arg8[%mul3A_4] : memref<100000xf32, #tpu.memory_space<vmem_shared>> -> memref<6256xf32, #tpu.memory_space<vmem_shared>>
        tpu.enqueue_dma source(%arg9 : memref<6256xf32, #tpu.memory_space<vmem>>) target(%dma_start3A_243 : memref<6256xf32, #tpu.memory_space<vmem_shared>>) target_semaphore(%run_scoped3A : memref<!tpu.dma_semaphore, #tpu.memory_space<semaphore_mem>>)
        %dma_wait3A_244 = tpu.memref_slice %arg8[%mul3A_4] : memref<100000xf32, #tpu.memory_space<vmem_shared>> -> memref<6256xf32, #tpu.memory_space<vmem_shared>>
        %dma_wait3A_245 = tpu.memref_slice %arg8[%mul3A_4] : memref<100000xf32, #tpu.memory_space<vmem_shared>> -> memref<6256xf32, #tpu.memory_space<vmem_shared>>
        tpu.wait_dma2 semaphore(%run_scoped3A : memref<!tpu.dma_semaphore, #tpu.memory_space<semaphore_mem>>) src(%arg9 : memref<6256xf32, #tpu.memory_space<vmem>>) dst(%dma_wait3A_245 : memref<6256xf32, #tpu.memory_space<vmem_shared>>)
        tpu.yield
      }) : () -> ()
    } else {
    }
    %eq3A_16 = arith.constant 15 : i32
    %eq3A_17 = arith.cmpi eq, %arg1, %eq3A_16 : i32
    %convert_element_type3A_18 = arith.extui %eq3A_17 : i1 to i32
    %cond3A_19 = arith.constant 0 : i32
    %cond3A_20 = arith.cmpi ne, %convert_element_type3A_18, %cond3A_19 : i32
    scf.if %cond3A_20 {
      %dma_wait3A_241 = arith.constant 0 : i32
      %dma_wait3A_242 = tpu.memref_slice %arg9[%dma_wait3A_241] : memref<6256xf32, #tpu.memory_space<vmem>> -> memref<6160xf32, #tpu.memory_space<vmem>>
      %dma_wait3A_243 = tpu.memref_slice %arg3[%mul3A_4] : memref<100000xf32, #tpu.memory_space<hbm>> -> memref<6160xf32, #tpu.memory_space<hbm>>
      %dma_wait3A_244 = arith.constant 0 : i32
      %dma_wait3A_245 = tpu.memref_slice %arg9[%dma_wait3A_244] : memref<6256xf32, #tpu.memory_space<vmem>> -> memref<6160xf32, #tpu.memory_space<vmem>>
      %dma_wait3A_246 = tpu.memref_slice %arg3[%mul3A_4] : memref<100000xf32, #tpu.memory_space<hbm>> -> memref<6160xf32, #tpu.memory_space<hbm>>
      tpu.wait_dma2 semaphore(%arg11 : memref<!tpu.dma_semaphore, #tpu.memory_space<semaphore_mem>>) src(%dma_wait3A_246 : memref<6160xf32, #tpu.memory_space<hbm>>) dst(%dma_wait3A_245 : memref<6160xf32, #tpu.memory_space<vmem>>)
      "tpu.region"() ({
        %run_scoped3A = tpu.sem_alloc : memref<!tpu.dma_semaphore, #tpu.memory_space<semaphore_mem>>
        %dma_start3A = arith.constant 0 : i32
        %dma_start3A_247 = tpu.memref_slice %arg9[%dma_start3A] : memref<6256xf32, #tpu.memory_space<vmem>> -> memref<6160xf32, #tpu.memory_space<vmem>>
        %dma_start3A_248 = tpu.memref_slice %arg8[%mul3A_4] : memref<100000xf32, #tpu.memory_space<vmem_shared>> -> memref<6160xf32, #tpu.memory_space<vmem_shared>>
        %dma_start3A_249 = tpu.memref_slice %arg8[%mul3A_4] : memref<100000xf32, #tpu.memory_space<vmem_shared>> -> memref<6160xf32, #tpu.memory_space<vmem_shared>>
        %dma_start3A_250 = arith.constant 0 : i32
        %dma_start3A_251 = tpu.memref_slice %arg9[%dma_start3A_250] : memref<6256xf32, #tpu.memory_space<vmem>> -> memref<6160xf32, #tpu.memory_space<vmem>>
        tpu.enqueue_dma source(%dma_start3A_251 : memref<6160xf32, #tpu.memory_space<vmem>>) target(%dma_start3A_249 : memref<6160xf32, #tpu.memory_space<vmem_shared>>) target_semaphore(%run_scoped3A : memref<!tpu.dma_semaphore, #tpu.memory_space<semaphore_mem>>)
        %dma_wait3A_252 = arith.constant 0 : i32
        %dma_wait3A_253 = tpu.memref_slice %arg9[%dma_wait3A_252] : memref<6256xf32, #tpu.memory_space<vmem>> -> memref<6160xf32, #tpu.memory_space<vmem>>
        %dma_wait3A_254 = tpu.memref_slice %arg8[%mul3A_4] : memref<100000xf32, #tpu.memory_space<vmem_shared>> -> memref<6160xf32, #tpu.memory_space<vmem_shared>>
        %dma_wait3A_255 = tpu.memref_slice %arg8[%mul3A_4] : memref<100000xf32, #tpu.memory_space<vmem_shared>> -> memref<6160xf32, #tpu.memory_space<vmem_shared>>
        %dma_wait3A_256 = arith.constant 0 : i32
        %dma_wait3A_257 = tpu.memref_slice %arg9[%dma_wait3A_256] : memref<6256xf32, #tpu.memory_space<vmem>> -> memref<6160xf32, #tpu.memory_space<vmem>>
        tpu.wait_dma2 semaphore(%run_scoped3A : memref<!tpu.dma_semaphore, #tpu.memory_space<semaphore_mem>>) src(%dma_wait3A_257 : memref<6160xf32, #tpu.memory_space<vmem>>) dst(%dma_wait3A_255 : memref<6160xf32, #tpu.memory_space<vmem_shared>>)
        tpu.yield
      }) : () -> ()
    } else {
    }
    %barrier3A = arith.constant 0 : index
    tpu.barrier barrier_id(%barrier3A)
    %scan3A = arith.constant 0 : i32
    %scan3A_21 = arith.constant 0 : i32
    %scan3A_22 = arith.constant 50 : i32
    %scan3A_23 = arith.addi %scan3A_21, %scan3A_22 : i32
    %scan3A_24 = arith.constant 1 : i32
    scf.for %scan3A_241 = %scan3A_21 to %scan3A_23 step %scan3A_24  : i32 {
      %mul3A_242 = arith.constant 128 : i32
      %mul3A_243 = arith.muli %scan3A_241, %mul3A_242 : i32
      %dma_start3A = tpu.memref_slice %arg6[%mul3A_243] : memref<6400xf32, #tpu.memory_space<vmem>> -> memref<128xf32, #tpu.memory_space<vmem>>
      %dma_start3A_244 = arith.constant 0 : i32
      %dma_start3A_245 = tpu.memref_slice %arg5[%scan3A_241, %dma_start3A_244] : memref<50x128xi32, #tpu.memory_space<vmem>> -> memref<1x128xi32, #tpu.memory_space<vmem>>
      %dma_start3A_246 = tpu.memref_squeeze %dma_start3A_245 : memref<1x128xi32, #tpu.memory_space<vmem>> -> memref<128xi32, #tpu.memory_space<vmem>>
      %dma_start3A_247 = arith.constant 0 : i32
      %dma_start3A_248 = tpu.memref_slice %arg8[%dma_start3A_247] : memref<100000xf32, #tpu.memory_space<vmem_shared>> -> memref<100000xf32, #tpu.memory_space<vmem_shared>>
      tpu.enqueue_indirect_dma source(%dma_start3A_248 : memref<100000xf32, #tpu.memory_space<vmem_shared>>) target(%dma_start3A : memref<128xf32, #tpu.memory_space<vmem>>) offsets(%dma_start3A_246 : memref<128xi32, #tpu.memory_space<vmem>>) semaphore(%arg10 : memref<!tpu.dma_semaphore, #tpu.memory_space<semaphore_mem>>)
    }
    %scan3A_25 = arith.constant 50 : i32
    %dma_wait3A = arith.constant 0 : i32
    %dma_wait3A_26 = tpu.memref_slice %arg3[%dma_wait3A] : memref<100000xf32, #tpu.memory_space<hbm>> -> memref<6400xf32, #tpu.memory_space<hbm>>
    %dma_wait3A_27 = arith.constant 0 : i32
    %dma_wait3A_28 = tpu.memref_slice %arg3[%dma_wait3A_27] : memref<100000xf32, #tpu.memory_space<hbm>> -> memref<6400xf32, #tpu.memory_space<hbm>>
    tpu.wait_dma2 semaphore(%arg10 : memref<!tpu.dma_semaphore, #tpu.memory_space<semaphore_mem>>) src(%dma_wait3A_28 : memref<6400xf32, #tpu.memory_space<hbm>>) dst(%arg6 : memref<6400xf32, #tpu.memory_space<vmem>>)
    %broadcast_in_dim3A = arith.constant 0.000000e+00 : f32
    %broadcast_in_dim3A_29 = vector.broadcast %broadcast_in_dim3A : f32 to vector<16xf32>
    %scan3A_30 = arith.constant 0 : i32
    %scan3A_31 = arith.constant 50 : i32
    %scan3A_32 = arith.addi %scan3A_30, %scan3A_31 : i32
    %scan3A_33 = arith.constant 1 : i32
    %scan3A_34:8 = scf.for %scan3A_241 = %scan3A_30 to %scan3A_32 step %scan3A_33 iter_args(%scan3A_242 = %broadcast_in_dim3A_29, %scan3A_243 = %broadcast_in_dim3A_29, %scan3A_244 = %broadcast_in_dim3A_29, %scan3A_245 = %broadcast_in_dim3A_29, %scan3A_246 = %broadcast_in_dim3A_29, %scan3A_247 = %broadcast_in_dim3A_29, %scan3A_248 = %broadcast_in_dim3A_29, %scan3A_249 = %broadcast_in_dim3A_29) -> (vector<16xf32>, vector<16xf32>, vector<16xf32>, vector<16xf32>, vector<16xf32>, vector<16xf32>, vector<16xf32>, vector<16xf32>)  : i32 {
      %mul3A_250 = arith.constant 128 : i32
      %mul3A_251 = arith.muli %scan3A_241, %mul3A_250 : i32
      %add3A_252 = arith.constant 0 : i32
      %add3A_253 = arith.addi %mul3A_251, %add3A_252 : i32
      %get3A = arith.index_cast %add3A_253 : i32 to index
      %get3A_254 = tpu.vector_load %arg6[%get3A] {strides = array<i32>} : memref<6400xf32, #tpu.memory_space<vmem>>, vector<16xf32>,
      %get3A_255 = vector.shape_cast %get3A_254 : vector<16xf32> to vector<16xf32>
      %add3A_256 = arith.addf %scan3A_242, %get3A_255 : vector<16xf32>
      %mul3A_257 = arith.constant 128 : i32
      %mul3A_258 = arith.muli %scan3A_241, %mul3A_257 : i32
      %add3A_259 = arith.constant 16 : i32
      %add3A_260 = arith.addi %mul3A_258, %add3A_259 : i32
      %get3A_261 = arith.index_cast %add3A_260 : i32 to index
      %get3A_262 = tpu.vector_load %arg6[%get3A_261] {strides = array<i32>} : memref<6400xf32, #tpu.memory_space<vmem>>, vector<16xf32>,
      %get3A_263 = vector.shape_cast %get3A_262 : vector<16xf32> to vector<16xf32>
      %add3A_264 = arith.addf %scan3A_243, %get3A_263 : vector<16xf32>
      %mul3A_265 = arith.constant 128 : i32
      %mul3A_266 = arith.muli %scan3A_241, %mul3A_265 : i32
      %add3A_267 = arith.constant 32 : i32
      %add3A_268 = arith.addi %mul3A_266, %add3A_267 : i32
      %get3A_269 = arith.index_cast %add3A_268 : i32 to index
      %get3A_270 = tpu.vector_load %arg6[%get3A_269] {strides = array<i32>} : memref<6400xf32, #tpu.memory_space<vmem>>, vector<16xf32>,
      %get3A_271 = vector.shape_cast %get3A_270 : vector<16xf32> to vector<16xf32>
      %add3A_272 = arith.addf %scan3A_244, %get3A_271 : vector<16xf32>
      %mul3A_273 = arith.constant 128 : i32
      %mul3A_274 = arith.muli %scan3A_241, %mul3A_273 : i32
      %add3A_275 = arith.constant 48 : i32
      %add3A_276 = arith.addi %mul3A_274, %add3A_275 : i32
      %get3A_277 = arith.index_cast %add3A_276 : i32 to index
      %get3A_278 = tpu.vector_load %arg6[%get3A_277] {strides = array<i32>} : memref<6400xf32, #tpu.memory_space<vmem>>, vector<16xf32>,
      %get3A_279 = vector.shape_cast %get3A_278 : vector<16xf32> to vector<16xf32>
      %add3A_280 = arith.addf %scan3A_245, %get3A_279 : vector<16xf32>
      %mul3A_281 = arith.constant 128 : i32
      %mul3A_282 = arith.muli %scan3A_241, %mul3A_281 : i32
      %add3A_283 = arith.constant 64 : i32
      %add3A_284 = arith.addi %mul3A_282, %add3A_283 : i32
      %get3A_285 = arith.index_cast %add3A_284 : i32 to index
      %get3A_286 = tpu.vector_load %arg6[%get3A_285] {strides = array<i32>} : memref<6400xf32, #tpu.memory_space<vmem>>, vector<16xf32>,
      %get3A_287 = vector.shape_cast %get3A_286 : vector<16xf32> to vector<16xf32>
      %add3A_288 = arith.addf %scan3A_246, %get3A_287 : vector<16xf32>
      %mul3A_289 = arith.constant 128 : i32
      %mul3A_290 = arith.muli %scan3A_241, %mul3A_289 : i32
      %add3A_291 = arith.constant 80 : i32
      %add3A_292 = arith.addi %mul3A_290, %add3A_291 : i32
      %get3A_293 = arith.index_cast %add3A_292 : i32 to index
      %get3A_294 = tpu.vector_load %arg6[%get3A_293] {strides = array<i32>} : memref<6400xf32, #tpu.memory_space<vmem>>, vector<16xf32>,
      %get3A_295 = vector.shape_cast %get3A_294 : vector<16xf32> to vector<16xf32>
      %add3A_296 = arith.addf %scan3A_247, %get3A_295 : vector<16xf32>
      %mul3A_297 = arith.constant 128 : i32
      %mul3A_298 = arith.muli %scan3A_241, %mul3A_297 : i32
      %add3A_299 = arith.constant 96 : i32
      %add3A_300 = arith.addi %mul3A_298, %add3A_299 : i32
      %get3A_301 = arith.index_cast %add3A_300 : i32 to index
      %get3A_302 = tpu.vector_load %arg6[%get3A_301] {strides = array<i32>} : memref<6400xf32, #tpu.memory_space<vmem>>, vector<16xf32>,
      %get3A_303 = vector.shape_cast %get3A_302 : vector<16xf32> to vector<16xf32>
      %add3A_304 = arith.addf %scan3A_248, %get3A_303 : vector<16xf32>
      %mul3A_305 = arith.constant 128 : i32
      %mul3A_306 = arith.muli %scan3A_241, %mul3A_305 : i32
      %add3A_307 = arith.constant 112 : i32
      %add3A_308 = arith.addi %mul3A_306, %add3A_307 : i32
      %get3A_309 = arith.index_cast %add3A_308 : i32 to index
      %get3A_310 = tpu.vector_load %arg6[%get3A_309] {strides = array<i32>} : memref<6400xf32, #tpu.memory_space<vmem>>, vector<16xf32>,
      %get3A_311 = vector.shape_cast %get3A_310 : vector<16xf32> to vector<16xf32>
      %add3A_312 = arith.addf %scan3A_249, %get3A_311 : vector<16xf32>
      scf.yield %add3A_256, %add3A_264, %add3A_272, %add3A_280, %add3A_288, %add3A_296, %add3A_304, %add3A_312 : vector<16xf32>, vector<16xf32>, vector<16xf32>, vector<16xf32>, vector<16xf32>, vector<16xf32>, vector<16xf32>, vector<16xf32>
    }
    %scan3A_35 = arith.constant 50 : i32
    %neg3A = arith.constant 0.000000e+00 : f32
    %neg3A_36 = vector.broadcast %neg3A : f32 to vector<16xf32>
    %neg3A_37 = arith.subf %neg3A_36, %scan3A_34#0 : vector<16xf32>
    %exp3A = math.exp %neg3A_37 : vector<16xf32>
    %add3A_38 = arith.constant 1.000000e+00 : f32
    %add3A_39 = vector.broadcast %add3A_38 : f32 to vector<16xf32>
    %add3A_40 = arith.addf %add3A_39, %exp3A : vector<16xf32>
    %div3A = arith.constant 1.000000e+00 : f32
    %div3A_41 = vector.broadcast %div3A : f32 to vector<16xf32>
    %div3A_42 = arith.divf %div3A_41, %add3A_40 : vector<16xf32>
    %mul3A_43 = arith.constant 1.000000e+04 : f32
    %mul3A_44 = vector.broadcast %mul3A_43 : f32 to vector<16xf32>
    %mul3A_45 = arith.mulf %div3A_42, %mul3A_44 : vector<16xf32>
    %add3A_46 = arith.constant 0x4B000000 : f32
    %add3A_47 = vector.broadcast %add3A_46 : f32 to vector<16xf32>
    %add3A_48 = arith.addf %mul3A_45, %add3A_47 : vector<16xf32>
    %sub3A = arith.constant 0x4B000000 : f32
    %sub3A_49 = vector.broadcast %sub3A : f32 to vector<16xf32>
    %sub3A_50 = arith.subf %add3A_48, %sub3A_49 : vector<16xf32>
    %div3A_51 = arith.constant 1.000000e+04 : f32
    %div3A_52 = vector.broadcast %div3A_51 : f32 to vector<16xf32>
    %div3A_53 = arith.divf %sub3A_50, %div3A_52 : vector<16xf32>
    %swap3A = arith.constant 0 : index
    %swap3A_54 = tpu.vector_load %arg7[%swap3A] {strides = array<i32>} : memref<128xf32, #tpu.memory_space<vmem>>, vector<16xf32>,
    %swap3A_55 = vector.shape_cast %swap3A_54 : vector<16xf32> to vector<16xf32>
    %swap3A_56 = vector.shape_cast %div3A_53 : vector<16xf32> to vector<16xf32>
    tpu.vector_store %arg7[%swap3A], %swap3A_56 {strides = array<i32>} : memref<128xf32, #tpu.memory_space<vmem>>, vector<16xf32>,
    %neg3A_57 = arith.constant 0.000000e+00 : f32
    %neg3A_58 = vector.broadcast %neg3A_57 : f32 to vector<16xf32>
    %neg3A_59 = arith.subf %neg3A_58, %scan3A_34#1 : vector<16xf32>
    %exp3A_60 = math.exp %neg3A_59 : vector<16xf32>
    %add3A_61 = arith.constant 1.000000e+00 : f32
    %add3A_62 = vector.broadcast %add3A_61 : f32 to vector<16xf32>
    %add3A_63 = arith.addf %add3A_62, %exp3A_60 : vector<16xf32>
    %div3A_64 = arith.constant 1.000000e+00 : f32
    %div3A_65 = vector.broadcast %div3A_64 : f32 to vector<16xf32>
    %div3A_66 = arith.divf %div3A_65, %add3A_63 : vector<16xf32>
    %mul3A_67 = arith.constant 1.000000e+04 : f32
    %mul3A_68 = vector.broadcast %mul3A_67 : f32 to vector<16xf32>
    %mul3A_69 = arith.mulf %div3A_66, %mul3A_68 : vector<16xf32>
    %add3A_70 = arith.constant 0x4B000000 : f32
    %add3A_71 = vector.broadcast %add3A_70 : f32 to vector<16xf32>
    %add3A_72 = arith.addf %mul3A_69, %add3A_71 : vector<16xf32>
    %sub3A_73 = arith.constant 0x4B000000 : f32
    %sub3A_74 = vector.broadcast %sub3A_73 : f32 to vector<16xf32>
    %sub3A_75 = arith.subf %add3A_72, %sub3A_74 : vector<16xf32>
    %div3A_76 = arith.constant 1.000000e+04 : f32
    %div3A_77 = vector.broadcast %div3A_76 : f32 to vector<16xf32>
    %div3A_78 = arith.divf %sub3A_75, %div3A_77 : vector<16xf32>
    %swap3A_79 = arith.constant 16 : index
    %swap3A_80 = tpu.vector_load %arg7[%swap3A_79] {strides = array<i32>} : memref<128xf32, #tpu.memory_space<vmem>>, vector<16xf32>,
    %swap3A_81 = vector.shape_cast %swap3A_80 : vector<16xf32> to vector<16xf32>
    %swap3A_82 = vector.shape_cast %div3A_78 : vector<16xf32> to vector<16xf32>
    tpu.vector_store %arg7[%swap3A_79], %swap3A_82 {strides = array<i32>} : memref<128xf32, #tpu.memory_space<vmem>>, vector<16xf32>,
    %neg3A_83 = arith.constant 0.000000e+00 : f32
    %neg3A_84 = vector.broadcast %neg3A_83 : f32 to vector<16xf32>
    %neg3A_85 = arith.subf %neg3A_84, %scan3A_34#2 : vector<16xf32>
    %exp3A_86 = math.exp %neg3A_85 : vector<16xf32>
    %add3A_87 = arith.constant 1.000000e+00 : f32
    %add3A_88 = vector.broadcast %add3A_87 : f32 to vector<16xf32>
    %add3A_89 = arith.addf %add3A_88, %exp3A_86 : vector<16xf32>
    %div3A_90 = arith.constant 1.000000e+00 : f32
    %div3A_91 = vector.broadcast %div3A_90 : f32 to vector<16xf32>
    %div3A_92 = arith.divf %div3A_91, %add3A_89 : vector<16xf32>
    %mul3A_93 = arith.constant 1.000000e+04 : f32
    %mul3A_94 = vector.broadcast %mul3A_93 : f32 to vector<16xf32>
    %mul3A_95 = arith.mulf %div3A_92, %mul3A_94 : vector<16xf32>
    %add3A_96 = arith.constant 0x4B000000 : f32
    %add3A_97 = vector.broadcast %add3A_96 : f32 to vector<16xf32>
    %add3A_98 = arith.addf %mul3A_95, %add3A_97 : vector<16xf32>
    %sub3A_99 = arith.constant 0x4B000000 : f32
    %sub3A_100 = vector.broadcast %sub3A_99 : f32 to vector<16xf32>
    %sub3A_101 = arith.subf %add3A_98, %sub3A_100 : vector<16xf32>
    %div3A_102 = arith.constant 1.000000e+04 : f32
    %div3A_103 = vector.broadcast %div3A_102 : f32 to vector<16xf32>
    %div3A_104 = arith.divf %sub3A_101, %div3A_103 : vector<16xf32>
    %swap3A_105 = arith.constant 32 : index
    %swap3A_106 = tpu.vector_load %arg7[%swap3A_105] {strides = array<i32>} : memref<128xf32, #tpu.memory_space<vmem>>, vector<16xf32>,
    %swap3A_107 = vector.shape_cast %swap3A_106 : vector<16xf32> to vector<16xf32>
    %swap3A_108 = vector.shape_cast %div3A_104 : vector<16xf32> to vector<16xf32>
    tpu.vector_store %arg7[%swap3A_105], %swap3A_108 {strides = array<i32>} : memref<128xf32, #tpu.memory_space<vmem>>, vector<16xf32>,
    %neg3A_109 = arith.constant 0.000000e+00 : f32
    %neg3A_110 = vector.broadcast %neg3A_109 : f32 to vector<16xf32>
    %neg3A_111 = arith.subf %neg3A_110, %scan3A_34#3 : vector<16xf32>
    %exp3A_112 = math.exp %neg3A_111 : vector<16xf32>
    %add3A_113 = arith.constant 1.000000e+00 : f32
    %add3A_114 = vector.broadcast %add3A_113 : f32 to vector<16xf32>
    %add3A_115 = arith.addf %add3A_114, %exp3A_112 : vector<16xf32>
    %div3A_116 = arith.constant 1.000000e+00 : f32
    %div3A_117 = vector.broadcast %div3A_116 : f32 to vector<16xf32>
    %div3A_118 = arith.divf %div3A_117, %add3A_115 : vector<16xf32>
    %mul3A_119 = arith.constant 1.000000e+04 : f32
    %mul3A_120 = vector.broadcast %mul3A_119 : f32 to vector<16xf32>
    %mul3A_121 = arith.mulf %div3A_118, %mul3A_120 : vector<16xf32>
    %add3A_122 = arith.constant 0x4B000000 : f32
    %add3A_123 = vector.broadcast %add3A_122 : f32 to vector<16xf32>
    %add3A_124 = arith.addf %mul3A_121, %add3A_123 : vector<16xf32>
    %sub3A_125 = arith.constant 0x4B000000 : f32
    %sub3A_126 = vector.broadcast %sub3A_125 : f32 to vector<16xf32>
    %sub3A_127 = arith.subf %add3A_124, %sub3A_126 : vector<16xf32>
    %div3A_128 = arith.constant 1.000000e+04 : f32
    %div3A_129 = vector.broadcast %div3A_128 : f32 to vector<16xf32>
    %div3A_130 = arith.divf %sub3A_127, %div3A_129 : vector<16xf32>
    %swap3A_131 = arith.constant 48 : index
    %swap3A_132 = tpu.vector_load %arg7[%swap3A_131] {strides = array<i32>} : memref<128xf32, #tpu.memory_space<vmem>>, vector<16xf32>,
    %swap3A_133 = vector.shape_cast %swap3A_132 : vector<16xf32> to vector<16xf32>
    %swap3A_134 = vector.shape_cast %div3A_130 : vector<16xf32> to vector<16xf32>
    tpu.vector_store %arg7[%swap3A_131], %swap3A_134 {strides = array<i32>} : memref<128xf32, #tpu.memory_space<vmem>>, vector<16xf32>,
    %neg3A_135 = arith.constant 0.000000e+00 : f32
    %neg3A_136 = vector.broadcast %neg3A_135 : f32 to vector<16xf32>
    %neg3A_137 = arith.subf %neg3A_136, %scan3A_34#4 : vector<16xf32>
    %exp3A_138 = math.exp %neg3A_137 : vector<16xf32>
    %add3A_139 = arith.constant 1.000000e+00 : f32
    %add3A_140 = vector.broadcast %add3A_139 : f32 to vector<16xf32>
    %add3A_141 = arith.addf %add3A_140, %exp3A_138 : vector<16xf32>
    %div3A_142 = arith.constant 1.000000e+00 : f32
    %div3A_143 = vector.broadcast %div3A_142 : f32 to vector<16xf32>
    %div3A_144 = arith.divf %div3A_143, %add3A_141 : vector<16xf32>
    %mul3A_145 = arith.constant 1.000000e+04 : f32
    %mul3A_146 = vector.broadcast %mul3A_145 : f32 to vector<16xf32>
    %mul3A_147 = arith.mulf %div3A_144, %mul3A_146 : vector<16xf32>
    %add3A_148 = arith.constant 0x4B000000 : f32
    %add3A_149 = vector.broadcast %add3A_148 : f32 to vector<16xf32>
    %add3A_150 = arith.addf %mul3A_147, %add3A_149 : vector<16xf32>
    %sub3A_151 = arith.constant 0x4B000000 : f32
    %sub3A_152 = vector.broadcast %sub3A_151 : f32 to vector<16xf32>
    %sub3A_153 = arith.subf %add3A_150, %sub3A_152 : vector<16xf32>
    %div3A_154 = arith.constant 1.000000e+04 : f32
    %div3A_155 = vector.broadcast %div3A_154 : f32 to vector<16xf32>
    %div3A_156 = arith.divf %sub3A_153, %div3A_155 : vector<16xf32>
    %swap3A_157 = arith.constant 64 : index
    %swap3A_158 = tpu.vector_load %arg7[%swap3A_157] {strides = array<i32>} : memref<128xf32, #tpu.memory_space<vmem>>, vector<16xf32>,
    %swap3A_159 = vector.shape_cast %swap3A_158 : vector<16xf32> to vector<16xf32>
    %swap3A_160 = vector.shape_cast %div3A_156 : vector<16xf32> to vector<16xf32>
    tpu.vector_store %arg7[%swap3A_157], %swap3A_160 {strides = array<i32>} : memref<128xf32, #tpu.memory_space<vmem>>, vector<16xf32>,
    %neg3A_161 = arith.constant 0.000000e+00 : f32
    %neg3A_162 = vector.broadcast %neg3A_161 : f32 to vector<16xf32>
    %neg3A_163 = arith.subf %neg3A_162, %scan3A_34#5 : vector<16xf32>
    %exp3A_164 = math.exp %neg3A_163 : vector<16xf32>
    %add3A_165 = arith.constant 1.000000e+00 : f32
    %add3A_166 = vector.broadcast %add3A_165 : f32 to vector<16xf32>
    %add3A_167 = arith.addf %add3A_166, %exp3A_164 : vector<16xf32>
    %div3A_168 = arith.constant 1.000000e+00 : f32
    %div3A_169 = vector.broadcast %div3A_168 : f32 to vector<16xf32>
    %div3A_170 = arith.divf %div3A_169, %add3A_167 : vector<16xf32>
    %mul3A_171 = arith.constant 1.000000e+04 : f32
    %mul3A_172 = vector.broadcast %mul3A_171 : f32 to vector<16xf32>
    %mul3A_173 = arith.mulf %div3A_170, %mul3A_172 : vector<16xf32>
    %add3A_174 = arith.constant 0x4B000000 : f32
    %add3A_175 = vector.broadcast %add3A_174 : f32 to vector<16xf32>
    %add3A_176 = arith.addf %mul3A_173, %add3A_175 : vector<16xf32>
    %sub3A_177 = arith.constant 0x4B000000 : f32
    %sub3A_178 = vector.broadcast %sub3A_177 : f32 to vector<16xf32>
    %sub3A_179 = arith.subf %add3A_176, %sub3A_178 : vector<16xf32>
    %div3A_180 = arith.constant 1.000000e+04 : f32
    %div3A_181 = vector.broadcast %div3A_180 : f32 to vector<16xf32>
    %div3A_182 = arith.divf %sub3A_179, %div3A_181 : vector<16xf32>
    %swap3A_183 = arith.constant 80 : index
    %swap3A_184 = tpu.vector_load %arg7[%swap3A_183] {strides = array<i32>} : memref<128xf32, #tpu.memory_space<vmem>>, vector<16xf32>,
    %swap3A_185 = vector.shape_cast %swap3A_184 : vector<16xf32> to vector<16xf32>
    %swap3A_186 = vector.shape_cast %div3A_182 : vector<16xf32> to vector<16xf32>
    tpu.vector_store %arg7[%swap3A_183], %swap3A_186 {strides = array<i32>} : memref<128xf32, #tpu.memory_space<vmem>>, vector<16xf32>,
    %neg3A_187 = arith.constant 0.000000e+00 : f32
    %neg3A_188 = vector.broadcast %neg3A_187 : f32 to vector<16xf32>
    %neg3A_189 = arith.subf %neg3A_188, %scan3A_34#6 : vector<16xf32>
    %exp3A_190 = math.exp %neg3A_189 : vector<16xf32>
    %add3A_191 = arith.constant 1.000000e+00 : f32
    %add3A_192 = vector.broadcast %add3A_191 : f32 to vector<16xf32>
    %add3A_193 = arith.addf %add3A_192, %exp3A_190 : vector<16xf32>
    %div3A_194 = arith.constant 1.000000e+00 : f32
    %div3A_195 = vector.broadcast %div3A_194 : f32 to vector<16xf32>
    %div3A_196 = arith.divf %div3A_195, %add3A_193 : vector<16xf32>
    %mul3A_197 = arith.constant 1.000000e+04 : f32
    %mul3A_198 = vector.broadcast %mul3A_197 : f32 to vector<16xf32>
    %mul3A_199 = arith.mulf %div3A_196, %mul3A_198 : vector<16xf32>
    %add3A_200 = arith.constant 0x4B000000 : f32
    %add3A_201 = vector.broadcast %add3A_200 : f32 to vector<16xf32>
    %add3A_202 = arith.addf %mul3A_199, %add3A_201 : vector<16xf32>
    %sub3A_203 = arith.constant 0x4B000000 : f32
    %sub3A_204 = vector.broadcast %sub3A_203 : f32 to vector<16xf32>
    %sub3A_205 = arith.subf %add3A_202, %sub3A_204 : vector<16xf32>
    %div3A_206 = arith.constant 1.000000e+04 : f32
    %div3A_207 = vector.broadcast %div3A_206 : f32 to vector<16xf32>
    %div3A_208 = arith.divf %sub3A_205, %div3A_207 : vector<16xf32>
    %swap3A_209 = arith.constant 96 : index
    %swap3A_210 = tpu.vector_load %arg7[%swap3A_209] {strides = array<i32>} : memref<128xf32, #tpu.memory_space<vmem>>, vector<16xf32>,
    %swap3A_211 = vector.shape_cast %swap3A_210 : vector<16xf32> to vector<16xf32>
    %swap3A_212 = vector.shape_cast %div3A_208 : vector<16xf32> to vector<16xf32>
    tpu.vector_store %arg7[%swap3A_209], %swap3A_212 {strides = array<i32>} : memref<128xf32, #tpu.memory_space<vmem>>, vector<16xf32>,
    %neg3A_213 = arith.constant 0.000000e+00 : f32
    %neg3A_214 = vector.broadcast %neg3A_213 : f32 to vector<16xf32>
    %neg3A_215 = arith.subf %neg3A_214, %scan3A_34#7 : vector<16xf32>
    %exp3A_216 = math.exp %neg3A_215 : vector<16xf32>
    %add3A_217 = arith.constant 1.000000e+00 : f32
    %add3A_218 = vector.broadcast %add3A_217 : f32 to vector<16xf32>
    %add3A_219 = arith.addf %add3A_218, %exp3A_216 : vector<16xf32>
    %div3A_220 = arith.constant 1.000000e+00 : f32
    %div3A_221 = vector.broadcast %div3A_220 : f32 to vector<16xf32>
    %div3A_222 = arith.divf %div3A_221, %add3A_219 : vector<16xf32>
    %mul3A_223 = arith.constant 1.000000e+04 : f32
    %mul3A_224 = vector.broadcast %mul3A_223 : f32 to vector<16xf32>
    %mul3A_225 = arith.mulf %div3A_222, %mul3A_224 : vector<16xf32>
    %add3A_226 = arith.constant 0x4B000000 : f32
    %add3A_227 = vector.broadcast %add3A_226 : f32 to vector<16xf32>
    %add3A_228 = arith.addf %mul3A_225, %add3A_227 : vector<16xf32>
    %sub3A_229 = arith.constant 0x4B000000 : f32
    %sub3A_230 = vector.broadcast %sub3A_229 : f32 to vector<16xf32>
    %sub3A_231 = arith.subf %add3A_228, %sub3A_230 : vector<16xf32>
    %div3A_232 = arith.constant 1.000000e+04 : f32
    %div3A_233 = vector.broadcast %div3A_232 : f32 to vector<16xf32>
    %div3A_234 = arith.divf %sub3A_231, %div3A_233 : vector<16xf32>
    %swap3A_235 = arith.constant 112 : index
    %swap3A_236 = tpu.vector_load %arg7[%swap3A_235] {strides = array<i32>} : memref<128xf32, #tpu.memory_space<vmem>>, vector<16xf32>,
    %swap3A_237 = vector.shape_cast %swap3A_236 : vector<16xf32> to vector<16xf32>
    %swap3A_238 = vector.shape_cast %div3A_234 : vector<16xf32> to vector<16xf32>
    tpu.vector_store %arg7[%swap3A_235], %swap3A_238 {strides = array<i32>} : memref<128xf32, #tpu.memory_space<vmem>>, vector<16xf32>,
    %mul3A_239 = arith.constant 128 : i32
    %mul3A_240 = arith.muli %add3A, %mul3A_239 : i32
    "tpu.region"() ({
      %run_scoped3A = tpu.sem_alloc : memref<!tpu.dma_semaphore, #tpu.memory_space<semaphore_mem>>
      %dma_start3A = tpu.memref_slice %arg4[%mul3A_240] : memref<4096xf32, #tpu.memory_space<hbm>> -> memref<128xf32, #tpu.memory_space<hbm>>
      %dma_start3A_241 = tpu.memref_slice %arg4[%mul3A_240] : memref<4096xf32, #tpu.memory_space<hbm>> -> memref<128xf32, #tpu.memory_space<hbm>>
      tpu.enqueue_dma source(%arg7 : memref<128xf32, #tpu.memory_space<vmem>>) target(%dma_start3A_241 : memref<128xf32, #tpu.memory_space<hbm>>) target_semaphore(%run_scoped3A : memref<!tpu.dma_semaphore, #tpu.memory_space<semaphore_mem>>)
      %dma_wait3A_242 = tpu.memref_slice %arg4[%mul3A_240] : memref<4096xf32, #tpu.memory_space<hbm>> -> memref<128xf32, #tpu.memory_space<hbm>>
      %dma_wait3A_243 = tpu.memref_slice %arg4[%mul3A_240] : memref<4096xf32, #tpu.memory_space<hbm>> -> memref<128xf32, #tpu.memory_space<hbm>>
      tpu.wait_dma2 semaphore(%run_scoped3A : memref<!tpu.dma_semaphore, #tpu.memory_space<semaphore_mem>>) src(%arg7 : memref<128xf32, #tpu.memory_space<vmem>>) dst(%dma_wait3A_243 : memref<128xf32, #tpu.memory_space<hbm>>)
      tpu.yield
    }) : () -> ()
    return
  }
}

module attributes {stable_mosaic.version = 14 : i64} {
  func.func @_scores_body(%arg0: memref<1x16xf32, #tpu.memory_space<vmem>>, %arg1: memref<1xf32, #tpu.memory_space<smem>>, %arg2: memref<16x100000xf32, #tpu.memory_space<vmem>>, %arg3: memref<100000xf32, #tpu.memory_space<vmem>>) attributes {dimension_semantics = [], scalar_prefetch = 0 : i64, scratch_operands = 0 : i64, tpu.core_type = #tpu.core_type<tc>} {
    %get3A = arith.constant 0 : index
    %get3A_0 = arith.constant 0 : index
    %get3A_1 = vector.load %arg2[%get3A, %get3A_0] : memref<16x100000xf32, #tpu.memory_space<vmem>>, vector<16x100000xf32>
    %get3A_2 = arith.constant 0 : index
    %get3A_3 = arith.constant 0 : index
    %get3A_4 = vector.load %arg0[%get3A_2, %get3A_3] : memref<1x16xf32, #tpu.memory_space<vmem>>, vector<1x16xf32>
    %dot_general3A = arith.constant dense<0.000000e+00> : vector<1x100000xf32>
    %dot_general3A_5 = tpu.matmul %get3A_4, %get3A_1, %dot_general3A {dimension_numbers = #tpu.dot_dimension_numbers<[1], [0], [0], [1], [0, 0, 1, 1], [], []>, transpose_lhs_hint = false} : vector<1x16xf32>, vector<16x100000xf32>, vector<1x100000xf32> -> vector<1x100000xf32>
    %squeeze3A = vector.shape_cast %dot_general3A_5 : vector<1x100000xf32> to vector<100000xf32>
    %get3A_6 = arith.constant 0 : index
    %get3A_7 = memref.load %arg1[%get3A_6] : memref<1xf32, #tpu.memory_space<smem>>
    %add3A = vector.broadcast %get3A_7 : f32 to vector<100000xf32>
    %add3A_8 = arith.addf %squeeze3A, %add3A : vector<100000xf32>
    %mul3A = arith.constant 2.000000e-02 : f32
    %mul3A_9 = vector.broadcast %mul3A : f32 to vector<100000xf32>
    %mul3A_10 = arith.mulf %add3A_8, %mul3A_9 : vector<100000xf32>
    %swap3A = arith.constant 0 : index
    %swap3A_11 = vector.load %arg3[%swap3A] : memref<100000xf32, #tpu.memory_space<vmem>>, vector<100000xf32>
    tpu.vector_store %arg3[%swap3A], %mul3A_10 {strides = array<i32>} : memref<100000xf32, #tpu.memory_space<vmem>>, vector<100000xf32>,
    return
  }
}

</mosaic_0001>

<sc_bundles>
// kernel: kernel.4.cloned.1.call-start
scs
__scs_entry_jumppad:
0x0: {  	(pc) =	sbr.rel $0x88, $3  }
0x1: {  	(tag) =	ssettag $0x0;
	lr =	simm.s32 $0x1  }
0x2: {  	[smem:$0x3F9D] =	sst lr;
	_ =	strace $0xD0000000  }
0x3: {  	_ = 	snop  }
0x4: {  	_ = 	snop  }
0x5: {  	_ = 	snop  }
0x6: {  	_ = 	snop  }
0x7: {  	_ = 	snop  }
__scs_overlays_trampoline_lowered:
0x8: {  	[smem:$0x3FAC] =	sst s0  }
0x9: {  	[smem:$0x3FAD] =	sst s1  }
0xa: {  	[smem:$0x3FAE] =	sst s2  }
0xb: {  	[smem:$0x3FAF] =	sst s3  }
0xc: {  	[smem:$0x3FB0] =	sst s4  }
0xd: {  	[smem:$0x3FB1] =	sst s5  }
0xe: {  	[smem:$0x3FB2] =	sst s6  }
0xf: {  	[smem:$0x3FB3] =	sst s7  }
0x10: {  	[smem:$0x3FB4] =	sst s8  }
0x11: {  	[smem:$0x3FB5] =	sst s9;
	s0 =	simm.s32 @!p0 $0x0  }
0x12: {  	s1 =	sld [smem:$0x3F9B];
	s0 =	simm.s32 @p0 $0x1  }
0x13: {  	[smem:$0x3FB6] =	sst s0;
	s0 =	simm.s32 @!p1 $0x0  }
0x14: {  	s2 =	sld [smem:$0x3F9A];
	s0 =	simm.s32 @p1 $0x1  }
0x15: {  	[smem:$0x3FB7] =	sst s0;
	s0 =	simm.s32 @!p2 $0x0  }
0x16: {  	s3 =	sld [smem:$0x3FDB];
	s0 =	simm.s32 @p2 $0x1  }
0x17: {  	s4 =	simm.s32 $0x1BF5;
	[smem:$0x3FB9] =	sst s0  }
0x18: {  	s0 =	sld [smem:$0x3F9C];
	_ =	swait.ge [sflag:s4], $0x0  }
0x19: {  	s7 =	sld [smem:$0x3F9D]  }
0x1a: {  	s8 =	sadd.s32 $0xFFFFE003, lr  }
0x1b: {  	s9 =	sadd.s32 $0xFFFFFEF7, lr;
	s5 =	simm.s32 $0xFFFFFFFF;
	p2 =	slt.u32 s8, $0xFFFFF086  }
0x1c: {  	p1 =	slt.u32 s9, $0xF7A;
	s5 =	simm.s32 @!p2 $0x0  }
0x1d: {  	s5 =	simm.s32 @p1 $0x1;
	p0 =	seq.s32 s7, s2  }
0x1e: {  	s7 =	smul.u32 @!p0 $0xF7A, s2;
	p2 =	seq.s32 @!p0 s5, $0x0  }
0x1f: {  	s9 =	smul.u32 $0xF7A, s1;
	s8 =	simm.s32 @!p0 $0x1BF5;
	p2 =	por !p2, p0  }
0x20: {  	[sflag:s8] =	ssyncset.s32 @!p0 $0xFFFFF086;
	s6 =	sadd.s32 @!p0 s3, s7;
	s7 =	simm.s32 @!p0 $0x108  }
0x21: {  	s3 =	sadd.s32 s3, s9;
	s6 =	sadd.s32 @!p0 $0x88, s6;
	s7 =	simm.s32 @p2 $0x1082  }
0x22: {  	[simem:s7], [sflag:s8] =	dma.local @!p0 [hbm:s6], $0xF7A  }
0x23: {  	s9 =	sor.u32 $0xD0000000, s2;
	s6 =	simm.s32 $0x108;
	_ =	swait.ge @!p0 [sflag:s8], $0x0  }
0x24: {  	s3 =	sadd.s32 $0x88, s3;
	s6 =	simm.s32 @!p1 $0x1082;
	[sflag:s4] =	ssyncset.s32 $0xFFFFF086  }
0x25: {  	[simem:s6], [sflag:s4] =	dma.local [hbm:s3], $0xF7A  }
0x26: {  	[smem:$0x3F9D] =	sst s1;
	(tag) =	ssettag s2;
	_ =	strace s9  }
0x27: {  	s1 =	sld [smem:$0x3FAD]  }
0x28: {  	s2 =	sld [smem:$0x3FAE]  }
0x29: {  	s4 =	sld [smem:$0x3FB0]  }
0x2a: {  	p0 =	seq.s32 s5, $0x0;
	s5 =	sld [smem:$0x3FB1]  }
0x2b: {  	s6 =	sld [smem:$0x3FB2]  }
0x2c: {  	s7 =	sld [smem:$0x3FB3]  }
0x2d: {  	s3 =	simm.s32 $0x108;
	s8 =	sld [smem:$0x3FB4]  }
0x2e: {  	s3 =	simm.s32 @!p0 $0x1082;
	s9 =	sld [smem:$0x3FB5]  }
0x2f: {  	lr =	sadd.s32 s0, s3;
	s0 =	sld [smem:$0x3FAC]  }
0x30: {  	s3 =	sld [smem:$0x3FAF]  }
0x31: {  	[smem:$0x3FB8] =	sst s10  }
0x32: {  	s10 =	sld [smem:$0x3FB6];
	_ =	sdelay $0x3  }
0x33: {  	p0 =	seq.s32 s10, $0x1;
	s10 =	sld [smem:$0x3FB8];
	_ =	sdelay $0x3  }
0x34: {  	[smem:$0x3FB8] =	sst s10  }
0x35: {  	s10 =	sld [smem:$0x3FB7];
	_ =	sdelay $0x3  }
0x36: {  	p1 =	seq.s32 s10, $0x1;
	s10 =	sld [smem:$0x3FB8];
	_ =	sdelay $0x3  }
0x37: {  	[smem:$0x3FB8] =	sst s10  }
0x38: {  	s10 =	sld [smem:$0x3FB9]  }
0x39: {  	_ = 	snop;
	(pc) =	sbr.ind lr, $3  }
0x3a: {  	_ = 	snop  }
0x3b: {  	_ = 	snop  }
0x3c: {  	p2 =	seq.s32 s10, $0x1;
	s10 =	sld [smem:$0x3FB8]  }
0x3d: {  	_ =	shalt  }
0x3e: {  	_ =	shalt  }
0x3f: {  	_ =	shalt  }
0x40: {  	_ =	shalt  }
0x41: {  	_ =	shalt  }
0x42: {  	_ =	shalt  }
0x43: {  	_ =	shalt  }
0x44: {  	_ =	shalt  }
0x45: {  	_ =	shalt  }
0x46: {  	_ =	shalt  }
0x47: {  	_ =	shalt  }
0x48: {  	_ =	shalt  }
0x49: {  	_ =	shalt  }
0x4a: {  	_ =	shalt  }
0x4b: {  	_ =	shalt  }
0x4c: {  	_ =	shalt  }
0x4d: {  	_ =	shalt  }
0x4e: {  	_ =	shalt  }
0x4f: {  	_ =	shalt  }
0x50: {  	_ =	shalt  }
0x51: {  	_ =	shalt  }
0x52: {  	_ =	shalt  }
0x53: {  	_ =	shalt  }
0x54: {  	_ =	shalt  }
0x55: {  	_ =	shalt  }
0x56: {  	_ =	shalt  }
0x57: {  	_ =	shalt  }
0x58: {  	_ =	shalt  }
0x59: {  	_ =	shalt  }
0x5a: {  	_ =	shalt  }
0x5b: {  	_ =	shalt  }
0x5c: {  	_ =	shalt  }
0x5d: {  	_ =	shalt  }
0x5e: {  	_ =	shalt  }
0x5f: {  	_ =	shalt  }
0x60: {  	_ =	shalt  }
0x61: {  	_ =	shalt  }
0x62: {  	_ =	shalt  }
0x63: {  	_ =	shalt  }
0x64: {  	_ =	shalt  }
0x65: {  	_ =	shalt  }
0x66: {  	_ =	shalt  }
0x67: {  	_ =	shalt  }
0x68: {  	_ =	shalt  }
0x69: {  	_ =	shalt  }
0x6a: {  	_ =	shalt  }
0x6b: {  	_ =	shalt  }
0x6c: {  	_ =	shalt  }
0x6d: {  	_ =	shalt  }
0x6e: {  	_ =	shalt  }
0x6f: {  	_ =	shalt  }
0x70: {  	_ =	shalt  }
0x71: {  	_ =	shalt  }
0x72: {  	_ =	shalt  }
0x73: {  	_ =	shalt  }
0x74: {  	_ =	shalt  }
0x75: {  	_ =	shalt  }
0x76: {  	_ =	shalt  }
0x77: {  	_ =	shalt  }
0x78: {  	_ =	shalt  }
0x79: {  	_ =	shalt  }
0x7a: {  	_ =	shalt  }
0x7b: {  	_ =	shalt  }
0x7c: {  	_ =	shalt  }
0x7d: {  	_ =	shalt  }
0x7e: {  	_ =	shalt  }
0x7f: {  	_ =	shalt  }
0x80: {  	_ =	shalt  }
0x81: {  	_ =	shalt  }
0x82: {  	_ =	shalt  }
0x83: {  	_ =	shalt  }
0x84: {  	_ =	shalt  }
0x85: {  	_ =	shalt  }
0x86: {  	_ =	shalt  }
0x87: {  	_ =	shalt  }
.Lfunc_end0:
.L_simem_size_0:
called_computation_lowered:
.L_overlay_start_0:
0x88: {  	s2 =	sld [smem:$0x3FD9]  }
0x89: {  	s3 =	sld [smem:$0x3FFE];
	_ =	sdelay $0x1  }
0x8a: {  	s1 =	srdreg.scid  }
0x8b: {  	s0 =	sand.u32 $0x1, s1  }
0x8c: {  	s17 =	sshll.u32 s0, $0xA;
	s2 =	sadd.s32 s3, s2  }
0x8d: {  	s2 =	sadd.s32 s2, s17  }
0x8e: {  	[smem:$0x3FC4] =	sst s2  }
0x8f: {  	_ = 	snop  }
0x90: {  	s2 =	sld [smem:$0x3FC9]  }
0x91: {  	s18 =	sld [smem:$0x3FD0];
	(tm) =	ssettm $0x1  }
0x92: {  	s4 =	sld [smem:$0x3FFB];
	_ =	sdelay $0x3  }
0x93: {  	_ =	strace s4  }
0x94: {  	s4 =	sld [smem:$0x3FFC];
	_ =	sdelay $0x3  }
0x95: {  	_ =	strace s4  }
0x96: {  	s4 =	sld [smem:$0x3FFD];
	_ =	sdelay $0x3  }
0x97: {  	_ =	strace s4  }
0x98: {  	_ =	strace $0x8FFFFFFF  }
0x99: {  	s19 =	sld [smem:$0x3FDB];
	_ =	sdelay $0x1  }
0x9a: {  	s5 =	simm.s32 $_scs_section_size  }
0x9b: {  	s6 =	simm.s32 $_size__tile_overlayer_lowered;
	s7 =	simm.s32 $_tile_overlayer_lowered  }
0x9c: {  	s22 =	simm.s32 $0x1BFF;
	s21 =	sshll.u32 s7, $0x1;
	s4 =	sadd.s32 s5, s19  }
0x9d: {  	s8 =	simm.s32 $0x0;
	s20 =	sshll.u32 s6, $0x1;
	s6 =	sadd.s32 s21, s4  }
0x9e: {  	[timem:s8], [sflag:s22] =	dma.local [hbm:s6], s20  }
0x9f: {  	_ =	swait.ge [sflag:s22], s20  }
0xa0: {  	s5 =	ssub.s32 $0x0, s20;
	[sflag:s22] =	ssyncset.done $0x0  }
0xa1: {  	[sflag:s22] =	ssyncadd.s32 s5;
	_ =	sdelay $0x1  }
0xa2: {  	s23 =	simm.s32 $0x1B8B  }
0xa3: {  	_ =	swait.ge [sflag:s23], $0x1  }
0xa4: {  	[sflag:s23] =	ssyncset.done $0x0  }
0xa5: {  	s25 =	simm.s32 $0x1B8E;
	s24 =	sld [smem:$0x3FFE];
	[sflag:s23] =	ssyncadd.s32 $0xFFFFFFFF  }
0xa6: {  	s26 =	simm.s32 $execute0_lowered;
	[smem:$0x3FD2] =	sst s25  }
0xa7: {  	s6 =	sshll.u32 s26, $0x1;
	_ =	strace $0x80000046;
	[dreg:$0x1] =	wrdreg $0xFFFFFFFF  }
0xa8: {  	s28 =	simm.s32 $_size_execute0_lowered;
	s4 =	sadd.s32 s4, s6;
	[dreg:$0x0] =	wrdreg $0x0  }
0xa9: {  	s6 =	sshll.u32 s28, $0x1;
	[dreg:$0x2] =	wrdreg s4  }
0xaa: {  	[dreg:$0x3] =	wrdreg s6  }
0xab: {  	[dreg:$0x4] =	wrdreg $0xC0  }
0xac: {  	_ =	task [dreg:s8], $0x5FFFF  }
0xad: {  	[dreg:$0x1] =	wrdreg $0xFFFFFFFF  }
0xae: {  	[dreg:$0x0] =	wrdreg $0x60  }
0xaf: {  	[dreg:$0x2] =	wrdreg s2  }
0xb0: {  	[dreg:$0x3] =	wrdreg s24  }
0xb1: {  	[dreg:$0x4] =	wrdreg s18  }
0xb2: {  	[dreg:$0x5] =	wrdreg $0x35800  }
0xb3: {  	[dreg:$0x6] =	wrdreg $0x9  }
0xb4: {  	_ =	task.clear_ibuf [dreg:s8], $0x7FFFF;
	_ =	strace $0x90000046  }
0xb5: {  	s29 =	simm.s32 $0x9;
	_ =	strace $0x80000048  }
0xb6: {  	_ =	swait.ge [sflag:s29], $0x1  }
0xb7: {  	[sflag:s29] =	ssyncadd.s32 $0xFFFFFFFF  }
0xb8: {  	_ =	strace $0x90000048  }
0xb9: {  	_ =	sfence  }
0xba: {  	s30 =	sld [smem:$0x0];
	_ =	sdelay $0x2  }
0xbb: {  	s31 =	sshll.u32 s1, $0xD;
	s1 =	sshrl.u32 s1, $0x2  }
0xbc: {  	s3 =	sand.u32 $0x4000, s31;
	s1 =	sadd.s32 s1, s30  }
0xbd: {  	s0 =	sor.u32 s3, s0;
	s1 =	sshll.u32 s1, $0x11  }
0xbe: {  	s0 =	sor.u32 s1, s0  }
0xbf: {  	s0 =	sadd.s32 $0x8F2B, s0  }
0xc0: {  	[sflag:s0] =	ssyncadd.remote.s32 $0x1  }
0xc1: {  	_ =	sfence.sel $0xFFFF  }
0xc2: {  	[dreg:$0x0] =	wrdreg $0xFFFFFFFF;
	(pc) =	sbr.abs _section_cstart, $3  }
0xc3: {  	[dreg:$0x1] =	wrdreg $0xFFFFFFFF  }
0xc4: {  	_ =	task.clear_ibuf [dreg:s8], $0x2FFFF;
	_ =	strace $0x9FFFFFFF  }
0xc5: {  	(tm) =	ssettm $0x7FFFFFFF  }
tec
execute0_lowered:
.L_overlay_start_1:
0x0: {  	(tag) =	ssettag $0x1  }
0x1: {  	s6 =	rddreg [dreg:$0x0]  }
0x2: {  	s5 =	rddreg [dreg:$0x1]  }
0x3: {  	s8 =	rddreg [dreg:$0x2]  }
0x4: {  	s1 =	rddreg [dreg:$0x3];
	s3 =	simm.s32 $0x0  }
0x5: {  	[smem:$0x7FF] =	sst s3  }
0x6: {  	s0 =	rddreg [dreg:$0x4];
	v0 =	vimm.f32 $1.000000000e+04;
	_ =	strace $0x80000047  }
0x7: {  	s2 =	stileid.u32;
	s4 =	srdreg.scid;
	(erf) = vrcp.f32 v0  }
0x8: {  	s13 =	simm.s32 $0x1800;
	s14 =	simm.s32 $0x3;
	s15 =	simm.s32 $0x80  }
0x9: {  	s16 =	simm.s32 $0x1;
	s17 =	simm.s32 $0x3500;
	s18 =	simm.s32 $0x0  }
0xa: {  	s7 =	smul.u32 $0x1870, s2;
	s4 =	sand.u32 $0x1, s4;
	s12 =	sshll.u32 s2, $0x1  }
0xb: {  	p0 =	seq.s32 s2, $0xF;
	s9 =	ssub.s32 $0x2, s4;
	s29 =	sor.u32 s4, s12  }
0xc: {  	s10 =	sshrl.u32 s7, $0x3;
	s11 =	sshrl.u32 s9, $0x1;
	s30 =	sshll.u32 s29, $0x7  }
0xd: {  	s7 =	sadd.s32 s7, s1;
	s31 =	sshll.u32 s29, $0x4;
	s10 =	sadd.s32 s10, s5  }
0xe: {  	s9 =	ssub.s32 s9, s11;
	s5 =	sadd.s32 $0x37D2, s5;
	s6 =	sadd.s32 s6, s30  }
0xf: {  	s8 =	sadd.s32 s8, s31;
	s11 =	simm.s32 $0x8000;
	s4 =	sadd.s32 $0xA00, s10  }
0x10: {  	s9 =	smax.u32 s9, $0x1;
	s10 =	simm.s32 $0x400;
	s12 =	sadd.s32 $0x6000, s6;
	v0 =	vpop (erf)  }
.LBB2_1:
0x11: {  	s19 =	simm.s32 @p0 $0x0;
	s20 =	simm.s32 @p0 $0x4DF0  }
0x12: {  	[tilespmem:s20], [sflag:$0x2] =	stream.linear.gather @p0 [hbm4b:s5+s19], $0x1810, $0x38;
	[tilespmem:$0x6670] =	vst v63  }
0x13: {  	s21 =	simm.s32 @!p0 $0x4DF0;
	s19 =	simm.s32 @!p0 $0x0  }
0x14: {  	[tilespmem:s21], [sflag:$0x2] =	stream.linear.gather @!p0 [hbm4b:s4+s19], $0x1870, $0x38;
	[tilespmem:$0x6670] =	vst v63  }
0x15: {  	_ = 	snop  }
0x16: {  	[tilespmem:s3], [sflag:$0x3] =	stream.strided.gather [hbm4b:s6+s10], $0x1800, s11, s10, $0x38;
	[tilespmem:$0x6670] =	vst v63  }
0x17: {  	_ = 	snop  }
0x18: {  	[tilespmem:s13], [sflag:$0x3] =	stream.linear.gather [hbm4b:s12+s3], $0x100, $0x38;
	[tilespmem:$0x6670] =	vst v63  }
0x19: {  	_ =	swait.ge [sflag:s14], $0x1900  }
0x1a: {  	[sflag:s14] =	ssyncset.done $0x0  }
0x1b: {  	s19 =	simm.s32 @p0 $0x2;
	[sflag:s14] =	ssyncadd.s32 $0xFFFFE700  }
0x1c: {  	_ =	swait.ge @p0 [sflag:s19], $0x1810  }
0x1d: {  	[sflag:s19] =	ssyncset.done @p0 $0x0  }
0x1e: {  	[sflag:s19] =	ssyncadd.s32 @p0 $0xFFFFE7F0;
	s19 =	simm.s32 @p0 $0x3  }
0x1f: {  	[spmem:s7] =	stream.linear.scatter @p0 [tilespmem:s20], [sflag:$0x3], $0x1810, $0x38;
	[tilespmem:$0x6670] =	vst v63  }
0x20: {  	_ =	swait.ge @p0 [sflag:s19], $0x1810  }
0x21: {  	[sflag:s19] =	ssyncset.done @p0 $0x0  }
0x22: {  	[sflag:s19] =	ssyncadd.s32 @p0 $0xFFFFE7F0;
	s19 =	simm.s32 @!p0 $0x2  }
0x23: {  	_ =	swait.ge @!p0 [sflag:s19], $0x1870  }
0x24: {  	[sflag:s19] =	ssyncset.done @!p0 $0x0  }
0x25: {  	[sflag:s19] =	ssyncadd.s32 @!p0 $0xFFFFE790;
	s19 =	simm.s32 @!p0 $0x3  }
0x26: {  	[spmem:s7] =	stream.linear.scatter @!p0 [tilespmem:s21], [sflag:$0x3], $0x1870, $0x38;
	[tilespmem:$0x6670] =	vst v63  }
0x27: {  	_ =	swait.ge @!p0 [sflag:s19], $0x1870  }
0x28: {  	[sflag:s19] =	ssyncset.done @!p0 $0x0  }
0x29: {  	s20 =	simm.s32 $0x0;
	[sflag:s19] =	ssyncadd.s32 @!p0 $0xFFFFE790  }
0x2a: {  	s21 =	simm.s32 $0x1C00;
	s19 =	simm.s32 $0x200;
	[bflag:$0x0] =	sbarrier.arrive $0xFFFF  }
.LBB2_2:
0x2b: {  	[tilespmem:s21], [sflag:$0x1] =	stream.indirect.gather [spmem:s1], $0x1, s20, s15, $0xb8;
	[tilespmem:$0x6670] =	vst v63  }
0x2c: {  	s20 =	smov.u32 s19;
	p1 =	sne.s32 s19, $0x6200  }
.Ltmp0:
0x2d: {  	s19 =	sadd.s32 $0x200, s19;
	(pc) =	sbr.rel @p1 .LBB2_2-.Ltmp0, $3  }
0x2e: {  	_ =	sdelay $0x1  }
0x2f: {  	s20 =	sshra.s32 s20, $0x2  }
0x30: {  	s21 =	sadd.s32 $0x1C00, s20  }
0x31: {  	[tilespmem:s21], [sflag:$0x1] =	stream.indirect.gather [spmem:s1], $0x1, s20, s15, $0xb8;
	[tilespmem:$0x6670] =	vst v63  }
0x32: {  	_ =	swait.ge [sflag:s16], $0x1900  }
0x33: {  	[sflag:s16] =	ssyncset.done $0x0  }
0x34: {  	s31 =	simm.s32 $0x0;
	[sflag:s16] =	ssyncadd.s32 $0xFFFFE700  }
0x35: {  	v1 =	vld [tilespmem:s31+$0x1C70]  }
0x36: {  	v2 =	vld [tilespmem:s31+$0x1C00]  }
0x37: {  	v3 =	vld [tilespmem:s31+$0x1C10]  }
0x38: {  	v11 =	vld [tilespmem:s31+$0x1C20]  }
0x39: {  	v9 =	vld [tilespmem:s31+$0x1C30]  }
0x3a: {  	v10 =	vimm.f32 $0.0e+00;
	v8 =	vimm.f32 $0.0e+00;
	v6 =	vld [tilespmem:s31+$0x1C40]  }
0x3b: {  	v7 =	vimm.f32 $0.0e+00;
	v4 =	vimm.f32 $0.0e+00;
	v5 =	vld [tilespmem:s31+$0x1C50];
	v1 =	vadd.f32 v1, v10  }
0x3c: {  	s19 =	simm.s32 $0x80;
	s20 =	simm.s32 $0x400;
	v13 =	vadd.f32 v2, v10;
	v12 =	vadd.f32 v3, v10;
	v3 =	vld [tilespmem:s31+$0x1C60];
	v2 =	vimm.f32 $0.0e+00  }
.LBB2_4:
0x3d: {  	p1 =	sne.s32 s20, $0x6200;
	v14 =	vld [tilespmem:s19+$0x1C70];
	v10 =	vadd.f32 v11, v10  }
0x3e: {  	v15 =	vld [tilespmem:s19+$0x1C00];
	v8 =	vadd.f32 v9, v8  }
0x3f: {  	v16 =	vld [tilespmem:s19+$0x1C10];
	v7 =	vadd.f32 v6, v7  }
.Ltmp1:
0x40: {  	v11 =	vld [tilespmem:s19+$0x1C20];
	v4 =	vadd.f32 v5, v4;
	(pc) =	sbr.rel @p1 .LBB2_4-.Ltmp1, $4  }
0x41: {  	v9 =	vld [tilespmem:s19+$0x1C30];
	v2 =	vadd.f32 v3, v2  }
0x42: {  	v6 =	vld [tilespmem:s19+$0x1C40];
	v1 =	vadd.f32 v14, v1  }
0x43: {  	v13 =	vadd.f32 v15, v13;
	v5 =	vld [tilespmem:s19+$0x1C50]  }
0x44: {  	v12 =	vadd.f32 v16, v12;
	v3 =	vld [tilespmem:s19+$0x1C60];
	s19 =	sshra.s32 s20, $0x2;
	s20 =	sadd.s32 $0x200, s20  }
0x45: {  	v14 =	vld [tilespmem:s19+$0x1C00];
	_ =	sdelay $0x4  }
0x46: {  	v13 =	vadd.f32 v14, v13;
	_ =	sdelay $0x1  }
0x47: {  	v13 =	vsub.f32 $0.0e+00, v13;
	_ =	sdelay $0x1  }
0x48: {  	v13 =	vmul.f32 $1.442695020e+00, v13;
	_ =	sdelay $0x1  }
0x49: {  	(erf) = vpow2.f32 v13;
	_ =	sdelay $0x1  }
0x4a: {  	v40 =	vld [tilespmem:s19+$0x1C10];
	_ =	sdelay $0x4  }
0x4b: {  	v12 =	vadd.f32 v40, v12;
	_ =	sdelay $0x1  }
0x4c: {  	v12 =	vsub.f32 $0.0e+00, v12;
	v41 =	vpop (erf)  }
0x4d: {  	v13 =	vadd.f32 $1.000000000e+00, v41  }
0x4e: {  	v12 =	vmul.f32 $1.442695020e+00, v12  }
0x4f: {  	(erf) = vrcp.f32 v13  }
0x50: {  	(erf) = vpow2.f32 v12;
	_ =	sdelay $0x1  }
0x51: {  	v42 =	vld [tilespmem:s19+$0x1C20];
	_ =	sdelay $0x2  }
0x52: {  	v10 =	vadd.f32 v11, v10;
	_ =	sdelay $0x1  }
0x53: {  	v10 =	vadd.f32 v42, v10  }
0x54: {  	v43 =	vpop (erf)  }
0x55: {  	v10 =	vsub.f32 $0.0e+00, v10;
	v44 =	vpop (erf)  }
0x56: {  	v12 =	vadd.f32 $1.000000000e+00, v44  }
0x57: {  	v10 =	vmul.f32 $1.442695020e+00, v10  }
0x58: {  	(erf) = vrcp.f32 v12  }
0x59: {  	(erf) = vpow2.f32 v10;
	_ =	sdelay $0x1  }
0x5a: {  	v45 =	vld [tilespmem:s19+$0x1C30];
	_ =	sdelay $0x2  }
0x5b: {  	v8 =	vadd.f32 v9, v8;
	_ =	sdelay $0x1  }
0x5c: {  	v8 =	vadd.f32 v45, v8  }
0x5d: {  	v46 =	vpop (erf)  }
0x5e: {  	v8 =	vsub.f32 $0.0e+00, v8;
	v47 =	vpop (erf)  }
0x5f: {  	v10 =	vadd.f32 $1.000000000e+00, v47  }
0x60: {  	v8 =	vmul.f32 $1.442695020e+00, v8  }
0x61: {  	(erf) = vrcp.f32 v10  }
0x62: {  	(erf) = vpow2.f32 v8;
	_ =	sdelay $0x1  }
0x63: {  	v48 =	vld [tilespmem:s19+$0x1C40];
	_ =	sdelay $0x2  }
0x64: {  	v6 =	vadd.f32 v6, v7;
	_ =	sdelay $0x1  }
0x65: {  	v6 =	vadd.f32 v48, v6  }
0x66: {  	v49 =	vpop (erf)  }
0x67: {  	v6 =	vsub.f32 $0.0e+00, v6;
	v50 =	vpop (erf)  }
0x68: {  	v8 =	vadd.f32 $1.000000000e+00, v50  }
0x69: {  	v6 =	vmul.f32 $1.442695020e+00, v6  }
0x6a: {  	(erf) = vrcp.f32 v8  }
0x6b: {  	(erf) = vpow2.f32 v6;
	_ =	sdelay $0x1  }
0x6c: {  	v51 =	vld [tilespmem:s19+$0x1C50];
	_ =	sdelay $0x2  }
0x6d: {  	v4 =	vadd.f32 v5, v4;
	_ =	sdelay $0x1  }
0x6e: {  	v4 =	vadd.f32 v51, v4  }
0x6f: {  	v52 =	vpop (erf)  }
0x70: {  	v4 =	vsub.f32 $0.0e+00, v4;
	v53 =	vpop (erf)  }
0x71: {  	v6 =	vadd.f32 $1.000000000e+00, v53  }
0x72: {  	v4 =	vmul.f32 $1.442695020e+00, v4  }
0x73: {  	(erf) = vrcp.f32 v6  }
0x74: {  	(erf) = vpow2.f32 v4;
	_ =	sdelay $0x1  }
0x75: {  	v54 =	vld [tilespmem:s19+$0x1C60];
	_ =	sdelay $0x2  }
0x76: {  	v2 =	vadd.f32 v3, v2;
	_ =	sdelay $0x1  }
0x77: {  	v2 =	vadd.f32 v54, v2  }
0x78: {  	v3 =	vpop (erf)  }
0x79: {  	v2 =	vsub.f32 $0.0e+00, v2;
	v55 =	vpop (erf)  }
0x7a: {  	v4 =	vadd.f32 $1.000000000e+00, v55  }
0x7b: {  	v2 =	vmul.f32 $1.442695020e+00, v2  }
0x7c: {  	(erf) = vrcp.f32 v4  }
0x7d: {  	(erf) = vpow2.f32 v2;
	_ =	sdelay $0x1  }
0x7e: {  	v2 =	vld [tilespmem:s19+$0x1C70];
	_ =	sdelay $0x4  }
0x7f: {  	v1 =	vadd.f32 v2, v1  }
0x80: {  	v2 =	vpop (erf)  }
0x81: {  	v1 =	vsub.f32 $0.0e+00, v1;
	v56 =	vpop (erf)  }
0x82: {  	v4 =	vadd.f32 $1.000000000e+00, v56  }
0x83: {  	v1 =	vmul.f32 $1.442695020e+00, v1  }
0x84: {  	(erf) = vrcp.f32 v4  }
0x85: {  	(erf) = vpow2.f32 v1;
	_ =	sdelay $0x7  }
0x86: {  	v1 =	vpop (erf)  }
0x87: {  	v57 =	vpop (erf)  }
0x88: {  	v4 =	vadd.f32 $1.000000000e+00, v57;
	_ =	sdelay $0x1  }
0x89: {  	(erf) = vrcp.f32 v4;
	_ =	sdelay $0x1  }
0x8a: {  	v7 =	vmul.f32 $1.000000000e+04, v49  }
0x8b: {  	v59 =	vmul.f32 $1.000000000e+04, v46  }
0x8c: {  	v7 =	vadd.f32 $8.388608000e+06, v7  }
0x8d: {  	v5 =	vmul.f32 $1.000000000e+04, v52;
	v6 =	vadd.f32 $8.388608000e+06, v59  }
0x8e: {  	v58 =	vmul.f32 $1.000000000e+04, v43;
	v7 =	vadd.f32 $-8.388608000e+06, v7;
	v3 =	vmul.f32 $1.000000000e+04, v3  }
0x8f: {  	v5 =	vadd.f32 $8.388608000e+06, v5;
	v6 =	vadd.f32 $-8.388608000e+06, v6;
	v2 =	vmul.f32 $1.000000000e+04, v2  }
0x90: {  	v61 =	vmul.f32 v7, v0;
	v3 =	vadd.f32 $8.388608000e+06, v3;
	v1 =	vmul.f32 $1.000000000e+04, v1  }
0x91: {  	v5 =	vadd.f32 $-8.388608000e+06, v5;
	v6 =	vmul.f32 v6, v0;
	v2 =	vadd.f32 $8.388608000e+06, v2;
	v60 =	vpop (erf)  }
0x92: {  	v3 =	vadd.f32 $-8.388608000e+06, v3;
	v1 =	vadd.f32 $8.388608000e+06, v1;
	v8 =	vmul.f32 $1.000000000e+04, v60  }
0x93: {  	v5 =	vmul.f32 v5, v0;
	[tilespmem:$0x3510] =	vst v6;
	v2 =	vadd.f32 $-8.388608000e+06, v2;
	v4 =	vadd.f32 $8.388608000e+06, v58  }
0x94: {  	[tilespmem:$0x3520] =	vst v61;
	v3 =	vmul.f32 v3, v0;
	v1 =	vadd.f32 $-8.388608000e+06, v1;
	v62 =	vadd.f32 $8.388608000e+06, v8  }
0x95: {  	[tilespmem:$0x3530] =	vst v5;
	v2 =	vmul.f32 v2, v0;
	v4 =	vadd.f32 $-8.388608000e+06, v4  }
0x96: {  	[tilespmem:$0x3540] =	vst v3;
	v1 =	vmul.f32 v1, v0;
	v63 =	vadd.f32 $-8.388608000e+06, v62  }
0x97: {  	[tilespmem:$0x3550] =	vst v2;
	v4 =	vmul.f32 v4, v0  }
0x98: {  	s18 =	sadd.s32 $0x1, s18;
	[tilespmem:$0x3560] =	vst v1;
	v2 =	vmul.f32 v63, v0  }
0x99: {  	p1 =	sne.s32 s18, s9;
	[tilespmem:$0x3500] =	vst v4  }
.Ltmp2:
0x9a: {  	[tilespmem:$0x3570] =	vst v2;
	(pc) =	sbr.rel @p1 .LBB2_1-.Ltmp2, $4  }
0x9b: {  	[hbm4b:s8+s3] =	stream.linear.scatter [tilespmem:s17], [sflag:$0x3], $0x80, $0x38;
	[tilespmem:$0x6670] =	vst v63  }
0x9c: {  	_ =	swait.ge [sflag:s14], $0x80  }
0x9d: {  	[sflag:s14] =	ssyncset.done $0x0  }
0x9e: {  	[sflag:s14] =	ssyncadd.s32 $0xFFFFFF80  }
0x9f: {  	_ =	sfence.sel $0x180000  }
0xa0: {  	[bflag:$0x0] =	sbarrier.arrive $0xFFFF  }
0xa1: {  	p0 =	sne.s32 s2, $0x0;
	_ =	strace $0x90000047  }
0xa2: {  	s0 =	sadd.s32 @!p0 $0x100000, s0;
	[bflag:$0x2] =	sbarrier.arrive $0xFFFF  }
0xa3: {  	[sflag:s0] =	ssyncadd.tile.s32 @!p0 $0x1;
	_ =	shalt  }
.Lfunc_end2:
_tile_overlayer_lowered:
.L_overlay_start_2:
0xa4: {  	(tag) =	ssettag $0x2  }
0xa5: {  	s0 =	rddreg [dreg:$0x0];
	s2 =	stileid.u32  }
0xa6: {  	s1 =	rddreg [dreg:$0x1];
	p0 =	sne.s32 s2, $0x0  }
0xa7: {  	s3 =	rddreg [dreg:$0x2];
	[bflag:$0x3] =	sbarrier.arrive $0xFFFF;
	s2 =	simm.s32 @!p0 $0x1C03  }
0xa8: {  	[timem:s3], [sflag:s2] =	dma.local @!p0 [hbm:s0], s1  }
0xa9: {  	s0 =	simm.s32 @!p0 $0x3  }
0xaa: {  	_ =	swait.ge @!p0 [sflag:s0], s1  }
0xab: {  	s1 =	ssub.s32 @!p0 $0x0, s1;
	[sflag:s0] =	ssyncset.done @!p0 $0x0  }
0xac: {  	[sflag:s0] =	ssyncadd.s32 @!p0 s1  }
0xad: {  	[bflag:$0x3] =	sbarrier.arrive $0xFFFF  }
0xae: {  	_ =	shalt  }

</sc_bundles>
